<compile_context>
chip_gen: v7x
topology: tpu7x:2x2x1
jax: 0.10.2.dev20260603
libtpu: 0.0.44.dev20260713+nightly
codegen_flags: <defaults>
</compile_context>

<pallas_src>
import functools

import jax
import jax.numpy as jnp
from jax import lax
from jax.experimental import pallas as pl
from jax.experimental.pallas import tpu as pltpu
from jax.experimental.pallas import tpu_sc as plsc

_B, _T, _D = 1024, 200, 128
_CHUNK = 16


@functools.cache
def _make_kernel():
    info = plsc.get_sparse_core_info()
    lanes = info.num_lanes
    num_cores = 1
    num_workers = num_cores * info.num_subcores
    b_per_w = _B // num_workers
    n_chunk = b_per_w // _CHUNK
    mesh = plsc.VectorSubcoreMesh(
        core_axis_name="c", subcore_axis_name="s", num_cores=num_cores
    )

    @functools.partial(
        pl.kernel,
        mesh=mesh,
        out_type=jax.ShapeDtypeStruct((_B, _D), jnp.float32),
        scratch_types=[
            pltpu.VMEM((b_per_w,), jnp.int32),
            pltpu.VMEM((b_per_w,), jnp.int32),
            pltpu.VMEM((b_per_w, _D), jnp.float32),
            [pltpu.SemaphoreType.DMA] * n_chunk,
            pltpu.SemaphoreType.DMA,
        ],
    )
    def k(rows_hbm, length_hbm, out_hbm, len_v, idx_v, gathered_v, gsems, osem):
        wid = lax.axis_index("s") * num_cores + lax.axis_index("c")
        base = wid * b_per_w
        pltpu.sync_copy(length_hbm.at[pl.ds(base, b_per_w)], len_v)
        for j in range(b_per_w // lanes):
            ln = len_v[pl.ds(j * lanes, lanes)]
            b_ids = base + j * lanes + lax.iota(jnp.int32, lanes)
            idx_v[pl.ds(j * lanes, lanes)] = b_ids * _T + ln - 1
        gathers = []
        for j in range(n_chunk):
            gathers.append(
                pltpu.async_copy(
                    rows_hbm.at[idx_v.at[pl.ds(j * _CHUNK, _CHUNK)]],
                    gathered_v.at[pl.ds(j * _CHUNK, _CHUNK)],
                    gsems[j],
                )
            )
        stores = []
        for j in range(n_chunk):
            gathers[j].wait()
            stores.append(
                pltpu.async_copy(
                    gathered_v.at[pl.ds(j * _CHUNK, _CHUNK)],
                    out_hbm.at[pl.ds(base + j * _CHUNK, _CHUNK)],
                    osem,
                )
            )
        for st in stores:
            st.wait()

    return k


@jax.jit
def kernel(inputs, length):
    rows = inputs.reshape(_B * _T, _D)
    return _make_kernel()(rows, length.astype(jnp.int32))

# --- scband reference (transcript-rebuilt; emitter-appended) ---
"""Pipeline reference for scband-last-relevant-3264175145135 (READ-ONLY COPY).

The authoritative reference and input builder live on the scoring server;
editing this copy changes nothing except your own understanding.
"""

import jax, jax.numpy as jnp
import numpy as np


def setup_inputs(seed: int = 0) -> dict:
    key = jax.random.key(seed)
    inputs = jax.random.normal(key, (1024, 200, 128), dtype=jnp.float32)
    length = jnp.asarray(np.tile(np.array([200, 100, 150, 50, 175, 25, 125, 75], dtype=np.int64), 128))
    return {"inputs": inputs, "length": length}


def reference(inputs, length):
    # Faithful translation of tf.gather_nd(inputs, tf.stack([tf.range(B), length - 1], axis=1))
    batch_size = inputs.shape[0]
    idx = jnp.stack([jnp.arange(batch_size), length - 1], axis=1)
    out = inputs[idx[:, 0], idx[:, 1]]
    return out

if __name__ == "__main__":
    import jax
    _d = setup_inputs()
    print(jax.jit(kernel)(*tuple(_d.values())))

</pallas_src>

<mosaic_0001>
#map = affine_map<(d0, d1) -> (0, 0)>
#map1 = affine_map<(d0, d1) -> (0)>
module attributes {stable_mosaic.version = 14 : i64} {
  func.func @k(%arg0: i32, %arg1: i32, %arg2: memref<204800x128xf32, #tpu.memory_space<hbm>>, %arg3: memref<1024xi32, #tpu.memory_space<hbm>>, %arg4: memref<1024x128xf32, #tpu.memory_space<hbm>>, %arg5: memref<64xi32, #tpu.memory_space<vmem>>, %arg6: memref<64xi32, #tpu.memory_space<vmem>>, %arg7: memref<64x128xf32, #tpu.memory_space<vmem>>, %arg8: memref<!tpu.dma_semaphore, #tpu.memory_space<semaphore_mem>>, %arg9: memref<!tpu.dma_semaphore, #tpu.memory_space<semaphore_mem>>, %arg10: memref<!tpu.dma_semaphore, #tpu.memory_space<semaphore_mem>>, %arg11: memref<!tpu.dma_semaphore, #tpu.memory_space<semaphore_mem>>, %arg12: memref<!tpu.dma_semaphore, #tpu.memory_space<semaphore_mem>>) attributes {dimension_semantics = [#tpu.dimension_semantics<core_parallel>, #tpu.dimension_semantics<subcore_parallel>], iteration_bounds = array<i64: 1, 16>, scalar_prefetch = 0 : i64, scratch_operands = 8 : i64, tpu.core_type = #tpu.core_type<sc_vector_subcore>, window_params = [{transform_indices = #map}, {transform_indices = #map1}, {transform_indices = #map}]} {
    %mul3A = arith.constant 1 : i32
    %mul3A_0 = arith.muli %arg1, %mul3A : i32
    %add3A = arith.addi %mul3A_0, %arg0 : i32
    %mul3A_1 = arith.constant 64 : i32
    %mul3A_2 = arith.muli %add3A, %mul3A_1 : i32
    "tpu.region"() ({
      %run_scoped3A = tpu.sem_alloc : memref<!tpu.dma_semaphore, #tpu.memory_space<semaphore_mem>>
      %dma_start3A_225 = tpu.memref_slice %arg3[%mul3A_2] : memref<1024xi32, #tpu.memory_space<hbm>> -> memref<64xi32, #tpu.memory_space<hbm>>
      %dma_start3A_226 = tpu.memref_slice %arg3[%mul3A_2] : memref<1024xi32, #tpu.memory_space<hbm>> -> memref<64xi32, #tpu.memory_space<hbm>>
      tpu.enqueue_dma source(%dma_start3A_226 : memref<64xi32, #tpu.memory_space<hbm>>) target(%arg5 : memref<64xi32, #tpu.memory_space<vmem>>) target_semaphore(%run_scoped3A : memref<!tpu.dma_semaphore, #tpu.memory_space<semaphore_mem>>)
      %dma_wait3A_227 = tpu.memref_slice %arg3[%mul3A_2] : memref<1024xi32, #tpu.memory_space<hbm>> -> memref<64xi32, #tpu.memory_space<hbm>>
      %dma_wait3A_228 = tpu.memref_slice %arg3[%mul3A_2] : memref<1024xi32, #tpu.memory_space<hbm>> -> memref<64xi32, #tpu.memory_space<hbm>>
      tpu.wait_dma2 semaphore(%run_scoped3A : memref<!tpu.dma_semaphore, #tpu.memory_space<semaphore_mem>>) src(%dma_wait3A_228 : memref<64xi32, #tpu.memory_space<hbm>>) dst(%arg5 : memref<64xi32, #tpu.memory_space<vmem>>)
      tpu.yield
    }) : () -> ()
    %get3A = arith.constant 0 : index
    %get3A_3 = tpu.vector_load %arg5[%get3A] {strides = array<i32>} : memref<64xi32, #tpu.memory_space<vmem>>, vector<16xi32>,
    %get3A_4 = vector.shape_cast %get3A_3 : vector<16xi32> to vector<16xi32>
    %add3A_5 = arith.constant 0 : i32
    %add3A_6 = arith.addi %mul3A_2, %add3A_5 : i32
    %iota3A = tpu.iota {dimensions = array<i32: 0>} : vector<16xi32>
    %add3A_7 = vector.broadcast %add3A_6 : i32 to vector<16xi32>
    %add3A_8 = arith.addi %add3A_7, %iota3A : vector<16xi32>
    %mul3A_9 = arith.constant 200 : i32
    %mul3A_10 = vector.broadcast %mul3A_9 : i32 to vector<16xi32>
    %mul3A_11 = arith.muli %add3A_8, %mul3A_10 : vector<16xi32>
    %add3A_12 = arith.addi %mul3A_11, %get3A_4 : vector<16xi32>
    %sub3A = arith.constant 1 : i32
    %sub3A_13 = vector.broadcast %sub3A : i32 to vector<16xi32>
    %sub3A_14 = arith.subi %add3A_12, %sub3A_13 : vector<16xi32>
    %swap3A = arith.constant 0 : index
    %swap3A_15 = tpu.vector_load %arg6[%swap3A] {strides = array<i32>} : memref<64xi32, #tpu.memory_space<vmem>>, vector<16xi32>,
    %swap3A_16 = vector.shape_cast %swap3A_15 : vector<16xi32> to vector<16xi32>
    %swap3A_17 = vector.shape_cast %sub3A_14 : vector<16xi32> to vector<16xi32>
    tpu.vector_store %arg6[%swap3A], %swap3A_17 {strides = array<i32>} : memref<64xi32, #tpu.memory_space<vmem>>, vector<16xi32>,
    %get3A_18 = arith.constant 16 : index
    %get3A_19 = tpu.vector_load %arg5[%get3A_18] {strides = array<i32>} : memref<64xi32, #tpu.memory_space<vmem>>, vector<16xi32>,
    %get3A_20 = vector.shape_cast %get3A_19 : vector<16xi32> to vector<16xi32>
    %add3A_21 = arith.constant 16 : i32
    %add3A_22 = arith.addi %mul3A_2, %add3A_21 : i32
    %iota3A_23 = tpu.iota {dimensions = array<i32: 0>} : vector<16xi32>
    %add3A_24 = vector.broadcast %add3A_22 : i32 to vector<16xi32>
    %add3A_25 = arith.addi %add3A_24, %iota3A_23 : vector<16xi32>
    %mul3A_26 = arith.constant 200 : i32
    %mul3A_27 = vector.broadcast %mul3A_26 : i32 to vector<16xi32>
    %mul3A_28 = arith.muli %add3A_25, %mul3A_27 : vector<16xi32>
    %add3A_29 = arith.addi %mul3A_28, %get3A_20 : vector<16xi32>
    %sub3A_30 = arith.constant 1 : i32
    %sub3A_31 = vector.broadcast %sub3A_30 : i32 to vector<16xi32>
    %sub3A_32 = arith.subi %add3A_29, %sub3A_31 : vector<16xi32>
    %swap3A_33 = arith.constant 16 : index
    %swap3A_34 = tpu.vector_load %arg6[%swap3A_33] {strides = array<i32>} : memref<64xi32, #tpu.memory_space<vmem>>, vector<16xi32>,
    %swap3A_35 = vector.shape_cast %swap3A_34 : vector<16xi32> to vector<16xi32>
    %swap3A_36 = vector.shape_cast %sub3A_32 : vector<16xi32> to vector<16xi32>
    tpu.vector_store %arg6[%swap3A_33], %swap3A_36 {strides = array<i32>} : memref<64xi32, #tpu.memory_space<vmem>>, vector<16xi32>,
    %get3A_37 = arith.constant 32 : index
    %get3A_38 = tpu.vector_load %arg5[%get3A_37] {strides = array<i32>} : memref<64xi32, #tpu.memory_space<vmem>>, vector<16xi32>,
    %get3A_39 = vector.shape_cast %get3A_38 : vector<16xi32> to vector<16xi32>
    %add3A_40 = arith.constant 32 : i32
    %add3A_41 = arith.addi %mul3A_2, %add3A_40 : i32
    %iota3A_42 = tpu.iota {dimensions = array<i32: 0>} : vector<16xi32>
    %add3A_43 = vector.broadcast %add3A_41 : i32 to vector<16xi32>
    %add3A_44 = arith.addi %add3A_43, %iota3A_42 : vector<16xi32>
    %mul3A_45 = arith.constant 200 : i32
    %mul3A_46 = vector.broadcast %mul3A_45 : i32 to vector<16xi32>
    %mul3A_47 = arith.muli %add3A_44, %mul3A_46 : vector<16xi32>
    %add3A_48 = arith.addi %mul3A_47, %get3A_39 : vector<16xi32>
    %sub3A_49 = arith.constant 1 : i32
    %sub3A_50 = vector.broadcast %sub3A_49 : i32 to vector<16xi32>
    %sub3A_51 = arith.subi %add3A_48, %sub3A_50 : vector<16xi32>
    %swap3A_52 = arith.constant 32 : index
    %swap3A_53 = tpu.vector_load %arg6[%swap3A_52] {strides = array<i32>} : memref<64xi32, #tpu.memory_space<vmem>>, vector<16xi32>,
    %swap3A_54 = vector.shape_cast %swap3A_53 : vector<16xi32> to vector<16xi32>
    %swap3A_55 = vector.shape_cast %sub3A_51 : vector<16xi32> to vector<16xi32>
    tpu.vector_store %arg6[%swap3A_52], %swap3A_55 {strides = array<i32>} : memref<64xi32, #tpu.memory_space<vmem>>, vector<16xi32>,
    %get3A_56 = arith.constant 48 : index
    %get3A_57 = tpu.vector_load %arg5[%get3A_56] {strides = array<i32>} : memref<64xi32, #tpu.memory_space<vmem>>, vector<16xi32>,
    %get3A_58 = vector.shape_cast %get3A_57 : vector<16xi32> to vector<16xi32>
    %add3A_59 = arith.constant 48 : i32
    %add3A_60 = arith.addi %mul3A_2, %add3A_59 : i32
    %iota3A_61 = tpu.iota {dimensions = array<i32: 0>} : vector<16xi32>
    %add3A_62 = vector.broadcast %add3A_60 : i32 to vector<16xi32>
    %add3A_63 = arith.addi %add3A_62, %iota3A_61 : vector<16xi32>
    %mul3A_64 = arith.constant 200 : i32
    %mul3A_65 = vector.broadcast %mul3A_64 : i32 to vector<16xi32>
    %mul3A_66 = arith.muli %add3A_63, %mul3A_65 : vector<16xi32>
    %add3A_67 = arith.addi %mul3A_66, %get3A_58 : vector<16xi32>
    %sub3A_68 = arith.constant 1 : i32
    %sub3A_69 = vector.broadcast %sub3A_68 : i32 to vector<16xi32>
    %sub3A_70 = arith.subi %add3A_67, %sub3A_69 : vector<16xi32>
    %swap3A_71 = arith.constant 48 : index
    %swap3A_72 = tpu.vector_load %arg6[%swap3A_71] {strides = array<i32>} : memref<64xi32, #tpu.memory_space<vmem>>, vector<16xi32>,
    %swap3A_73 = vector.shape_cast %swap3A_72 : vector<16xi32> to vector<16xi32>
    %swap3A_74 = vector.shape_cast %sub3A_70 : vector<16xi32> to vector<16xi32>
    tpu.vector_store %arg6[%swap3A_71], %swap3A_74 {strides = array<i32>} : memref<64xi32, #tpu.memory_space<vmem>>, vector<16xi32>,
    %dma_start3A = arith.constant 0 : i32
    %dma_start3A_75 = arith.constant 0 : i32
    %dma_start3A_76 = tpu.memref_slice %arg7[%dma_start3A, %dma_start3A_75] : memref<64x128xf32, #tpu.memory_space<vmem>> -> memref<16x128xf32, #tpu.memory_space<vmem>>
    %dma_start3A_77 = arith.constant 0 : i32
    %dma_start3A_78 = tpu.memref_slice %arg6[%dma_start3A_77] : memref<64xi32, #tpu.memory_space<vmem>> -> memref<16xi32, #tpu.memory_space<vmem>>
    %dma_start3A_79 = arith.constant 0 : i32
    %dma_start3A_80 = arith.constant 0 : i32
    %dma_start3A_81 = tpu.memref_slice %arg2[%dma_start3A_79, %dma_start3A_80] : memref<204800x128xf32, #tpu.memory_space<hbm>> -> memref<204800x128xf32, #tpu.memory_space<hbm>>
    tpu.enqueue_indirect_dma source(%dma_start3A_81 : memref<204800x128xf32, #tpu.memory_space<hbm>>) target(%dma_start3A_76 : memref<16x128xf32, #tpu.memory_space<vmem>>) offsets(%dma_start3A_78 : memref<16xi32, #tpu.memory_space<vmem>>) semaphore(%arg8 : memref<!tpu.dma_semaphore, #tpu.memory_space<semaphore_mem>>)
    %dma_start3A_82 = arith.constant 16 : i32
    %dma_start3A_83 = arith.constant 0 : i32
    %dma_start3A_84 = tpu.memref_slice %arg7[%dma_start3A_82, %dma_start3A_83] : memref<64x128xf32, #tpu.memory_space<vmem>> -> memref<16x128xf32, #tpu.memory_space<vmem>>
    %dma_start3A_85 = arith.constant 16 : i32
    %dma_start3A_86 = tpu.memref_slice %arg6[%dma_start3A_85] : memref<64xi32, #tpu.memory_space<vmem>> -> memref<16xi32, #tpu.memory_space<vmem>>
    %dma_start3A_87 = arith.constant 0 : i32
    %dma_start3A_88 = arith.constant 0 : i32
    %dma_start3A_89 = tpu.memref_slice %arg2[%dma_start3A_87, %dma_start3A_88] : memref<204800x128xf32, #tpu.memory_space<hbm>> -> memref<204800x128xf32, #tpu.memory_space<hbm>>
    tpu.enqueue_indirect_dma source(%dma_start3A_89 : memref<204800x128xf32, #tpu.memory_space<hbm>>) target(%dma_start3A_84 : memref<16x128xf32, #tpu.memory_space<vmem>>) offsets(%dma_start3A_86 : memref<16xi32, #tpu.memory_space<vmem>>) semaphore(%arg9 : memref<!tpu.dma_semaphore, #tpu.memory_space<semaphore_mem>>)
    %dma_start3A_90 = arith.constant 32 : i32
    %dma_start3A_91 = arith.constant 0 : i32
    %dma_start3A_92 = tpu.memref_slice %arg7[%dma_start3A_90, %dma_start3A_91] : memref<64x128xf32, #tpu.memory_space<vmem>> -> memref<16x128xf32, #tpu.memory_space<vmem>>
    %dma_start3A_93 = arith.constant 32 : i32
    %dma_start3A_94 = tpu.memref_slice %arg6[%dma_start3A_93] : memref<64xi32, #tpu.memory_space<vmem>> -> memref<16xi32, #tpu.memory_space<vmem>>
    %dma_start3A_95 = arith.constant 0 : i32
    %dma_start3A_96 = arith.constant 0 : i32
    %dma_start3A_97 = tpu.memref_slice %arg2[%dma_start3A_95, %dma_start3A_96] : memref<204800x128xf32, #tpu.memory_space<hbm>> -> memref<204800x128xf32, #tpu.memory_space<hbm>>
    tpu.enqueue_indirect_dma source(%dma_start3A_97 : memref<204800x128xf32, #tpu.memory_space<hbm>>) target(%dma_start3A_92 : memref<16x128xf32, #tpu.memory_space<vmem>>) offsets(%dma_start3A_94 : memref<16xi32, #tpu.memory_space<vmem>>) semaphore(%arg10 : memref<!tpu.dma_semaphore, #tpu.memory_space<semaphore_mem>>)
    %dma_start3A_98 = arith.constant 48 : i32
    %dma_start3A_99 = arith.constant 0 : i32
    %dma_start3A_100 = tpu.memref_slice %arg7[%dma_start3A_98, %dma_start3A_99] : memref<64x128xf32, #tpu.memory_space<vmem>> -> memref<16x128xf32, #tpu.memory_space<vmem>>
    %dma_start3A_101 = arith.constant 48 : i32
    %dma_start3A_102 = tpu.memref_slice %arg6[%dma_start3A_101] : memref<64xi32, #tpu.memory_space<vmem>> -> memref<16xi32, #tpu.memory_space<vmem>>
    %dma_start3A_103 = arith.constant 0 : i32
    %dma_start3A_104 = arith.constant 0 : i32
    %dma_start3A_105 = tpu.memref_slice %arg2[%dma_start3A_103, %dma_start3A_104] : memref<204800x128xf32, #tpu.memory_space<hbm>> -> memref<204800x128xf32, #tpu.memory_space<hbm>>
    tpu.enqueue_indirect_dma source(%dma_start3A_105 : memref<204800x128xf32, #tpu.memory_space<hbm>>) target(%dma_start3A_100 : memref<16x128xf32, #tpu.memory_space<vmem>>) offsets(%dma_start3A_102 : memref<16xi32, #tpu.memory_space<vmem>>) semaphore(%arg11 : memref<!tpu.dma_semaphore, #tpu.memory_space<semaphore_mem>>)
    %dma_wait3A = arith.constant 0 : i32
    %dma_wait3A_106 = arith.constant 0 : i32
    %dma_wait3A_107 = tpu.memref_slice %arg7[%dma_wait3A, %dma_wait3A_106] : memref<64x128xf32, #tpu.memory_space<vmem>> -> memref<16x128xf32, #tpu.memory_space<vmem>>
    %dma_wait3A_108 = arith.constant 0 : i32
    %dma_wait3A_109 = tpu.memref_slice %arg6[%dma_wait3A_108] : memref<64xi32, #tpu.memory_space<vmem>> -> memref<16xi32, #tpu.memory_space<vmem>>
    %dma_wait3A_110 = arith.constant 0 : i32
    %dma_wait3A_111 = arith.constant 0 : i32
    %dma_wait3A_112 = tpu.memref_slice %arg2[%dma_wait3A_110, %dma_wait3A_111] : memref<204800x128xf32, #tpu.memory_space<hbm>> -> memref<204800x128xf32, #tpu.memory_space<hbm>>
    tpu.wait_indirect_dma semaphore(%arg8 : memref<!tpu.dma_semaphore, #tpu.memory_space<semaphore_mem>>) src(%dma_wait3A_112 : memref<204800x128xf32, #tpu.memory_space<hbm>>) dst(%dma_wait3A_107 : memref<16x128xf32, #tpu.memory_space<vmem>>)
    %add3A_113 = arith.constant 0 : i32
    %add3A_114 = arith.addi %mul3A_2, %add3A_113 : i32
    %dma_start3A_115 = arith.constant 0 : i32
    %dma_start3A_116 = arith.constant 0 : i32
    %dma_start3A_117 = tpu.memref_slice %arg7[%dma_start3A_115, %dma_start3A_116] : memref<64x128xf32, #tpu.memory_space<vmem>> -> memref<16x128xf32, #tpu.memory_space<vmem>>
    %dma_start3A_118 = arith.constant 0 : i32
    %dma_start3A_119 = tpu.memref_slice %arg4[%add3A_114, %dma_start3A_118] : memref<1024x128xf32, #tpu.memory_space<hbm>> -> memref<16x128xf32, #tpu.memory_space<hbm>>
    %dma_start3A_120 = arith.constant 0 : i32
    %dma_start3A_121 = tpu.memref_slice %arg4[%add3A_114, %dma_start3A_120] : memref<1024x128xf32, #tpu.memory_space<hbm>> -> memref<16x128xf32, #tpu.memory_space<hbm>>
    %dma_start3A_122 = arith.constant 0 : i32
    %dma_start3A_123 = arith.constant 0 : i32
    %dma_start3A_124 = tpu.memref_slice %arg7[%dma_start3A_122, %dma_start3A_123] : memref<64x128xf32, #tpu.memory_space<vmem>> -> memref<16x128xf32, #tpu.memory_space<vmem>>
    tpu.enqueue_dma source(%dma_start3A_124 : memref<16x128xf32, #tpu.memory_space<vmem>>) target(%dma_start3A_121 : memref<16x128xf32, #tpu.memory_space<hbm>>) target_semaphore(%arg12 : memref<!tpu.dma_semaphore, #tpu.memory_space<semaphore_mem>>)
    %dma_wait3A_125 = arith.constant 16 : i32
    %dma_wait3A_126 = arith.constant 0 : i32
    %dma_wait3A_127 = tpu.memref_slice %arg7[%dma_wait3A_125, %dma_wait3A_126] : memref<64x128xf32, #tpu.memory_space<vmem>> -> memref<16x128xf32, #tpu.memory_space<vmem>>
    %dma_wait3A_128 = arith.constant 16 : i32
    %dma_wait3A_129 = tpu.memref_slice %arg6[%dma_wait3A_128] : memref<64xi32, #tpu.memory_space<vmem>> -> memref<16xi32, #tpu.memory_space<vmem>>
    %dma_wait3A_130 = arith.constant 0 : i32
    %dma_wait3A_131 = arith.constant 0 : i32
    %dma_wait3A_132 = tpu.memref_slice %arg2[%dma_wait3A_130, %dma_wait3A_131] : memref<204800x128xf32, #tpu.memory_space<hbm>> -> memref<204800x128xf32, #tpu.memory_space<hbm>>
    tpu.wait_indirect_dma semaphore(%arg9 : memref<!tpu.dma_semaphore, #tpu.memory_space<semaphore_mem>>) src(%dma_wait3A_132 : memref<204800x128xf32, #tpu.memory_space<hbm>>) dst(%dma_wait3A_127 : memref<16x128xf32, #tpu.memory_space<vmem>>)
    %add3A_133 = arith.constant 16 : i32
    %add3A_134 = arith.addi %mul3A_2, %add3A_133 : i32
    %dma_start3A_135 = arith.constant 16 : i32
    %dma_start3A_136 = arith.constant 0 : i32
    %dma_start3A_137 = tpu.memref_slice %arg7[%dma_start3A_135, %dma_start3A_136] : memref<64x128xf32, #tpu.memory_space<vmem>> -> memref<16x128xf32, #tpu.memory_space<vmem>>
    %dma_start3A_138 = arith.constant 0 : i32
    %dma_start3A_139 = tpu.memref_slice %arg4[%add3A_134, %dma_start3A_138] : memref<1024x128xf32, #tpu.memory_space<hbm>> -> memref<16x128xf32, #tpu.memory_space<hbm>>
    %dma_start3A_140 = arith.constant 0 : i32
    %dma_start3A_141 = tpu.memref_slice %arg4[%add3A_134, %dma_start3A_140] : memref<1024x128xf32, #tpu.memory_space<hbm>> -> memref<16x128xf32, #tpu.memory_space<hbm>>
    %dma_start3A_142 = arith.constant 16 : i32
    %dma_start3A_143 = arith.constant 0 : i32
    %dma_start3A_144 = tpu.memref_slice %arg7[%dma_start3A_142, %dma_start3A_143] : memref<64x128xf32, #tpu.memory_space<vmem>> -> memref<16x128xf32, #tpu.memory_space<vmem>>
    tpu.enqueue_dma source(%dma_start3A_144 : memref<16x128xf32, #tpu.memory_space<vmem>>) target(%dma_start3A_141 : memref<16x128xf32, #tpu.memory_space<hbm>>) target_semaphore(%arg12 : memref<!tpu.dma_semaphore, #tpu.memory_space<semaphore_mem>>)
    %dma_wait3A_145 = arith.constant 32 : i32
    %dma_wait3A_146 = arith.constant 0 : i32
    %dma_wait3A_147 = tpu.memref_slice %arg7[%dma_wait3A_145, %dma_wait3A_146] : memref<64x128xf32, #tpu.memory_space<vmem>> -> memref<16x128xf32, #tpu.memory_space<vmem>>
    %dma_wait3A_148 = arith.constant 32 : i32
    %dma_wait3A_149 = tpu.memref_slice %arg6[%dma_wait3A_148] : memref<64xi32, #tpu.memory_space<vmem>> -> memref<16xi32, #tpu.memory_space<vmem>>
    %dma_wait3A_150 = arith.constant 0 : i32
    %dma_wait3A_151 = arith.constant 0 : i32
    %dma_wait3A_152 = tpu.memref_slice %arg2[%dma_wait3A_150, %dma_wait3A_151] : memref<204800x128xf32, #tpu.memory_space<hbm>> -> memref<204800x128xf32, #tpu.memory_space<hbm>>
    tpu.wait_indirect_dma semaphore(%arg10 : memref<!tpu.dma_semaphore, #tpu.memory_space<semaphore_mem>>) src(%dma_wait3A_152 : memref<204800x128xf32, #tpu.memory_space<hbm>>) dst(%dma_wait3A_147 : memref<16x128xf32, #tpu.memory_space<vmem>>)
    %add3A_153 = arith.constant 32 : i32
    %add3A_154 = arith.addi %mul3A_2, %add3A_153 : i32
    %dma_start3A_155 = arith.constant 32 : i32
    %dma_start3A_156 = arith.constant 0 : i32
    %dma_start3A_157 = tpu.memref_slice %arg7[%dma_start3A_155, %dma_start3A_156] : memref<64x128xf32, #tpu.memory_space<vmem>> -> memref<16x128xf32, #tpu.memory_space<vmem>>
    %dma_start3A_158 = arith.constant 0 : i32
    %dma_start3A_159 = tpu.memref_slice %arg4[%add3A_154, %dma_start3A_158] : memref<1024x128xf32, #tpu.memory_space<hbm>> -> memref<16x128xf32, #tpu.memory_space<hbm>>
    %dma_start3A_160 = arith.constant 0 : i32
    %dma_start3A_161 = tpu.memref_slice %arg4[%add3A_154, %dma_start3A_160] : memref<1024x128xf32, #tpu.memory_space<hbm>> -> memref<16x128xf32, #tpu.memory_space<hbm>>
    %dma_start3A_162 = arith.constant 32 : i32
    %dma_start3A_163 = arith.constant 0 : i32
    %dma_start3A_164 = tpu.memref_slice %arg7[%dma_start3A_162, %dma_start3A_163] : memref<64x128xf32, #tpu.memory_space<vmem>> -> memref<16x128xf32, #tpu.memory_space<vmem>>
    tpu.enqueue_dma source(%dma_start3A_164 : memref<16x128xf32, #tpu.memory_space<vmem>>) target(%dma_start3A_161 : memref<16x128xf32, #tpu.memory_space<hbm>>) target_semaphore(%arg12 : memref<!tpu.dma_semaphore, #tpu.memory_space<semaphore_mem>>)
    %dma_wait3A_165 = arith.constant 48 : i32
    %dma_wait3A_166 = arith.constant 0 : i32
    %dma_wait3A_167 = tpu.memref_slice %arg7[%dma_wait3A_165, %dma_wait3A_166] : memref<64x128xf32, #tpu.memory_space<vmem>> -> memref<16x128xf32, #tpu.memory_space<vmem>>
    %dma_wait3A_168 = arith.constant 48 : i32
    %dma_wait3A_169 = tpu.memref_slice %arg6[%dma_wait3A_168] : memref<64xi32, #tpu.memory_space<vmem>> -> memref<16xi32, #tpu.memory_space<vmem>>
    %dma_wait3A_170 = arith.constant 0 : i32
    %dma_wait3A_171 = arith.constant 0 : i32
    %dma_wait3A_172 = tpu.memref_slice %arg2[%dma_wait3A_170, %dma_wait3A_171] : memref<204800x128xf32, #tpu.memory_space<hbm>> -> memref<204800x128xf32, #tpu.memory_space<hbm>>
    tpu.wait_indirect_dma semaphore(%arg11 : memref<!tpu.dma_semaphore, #tpu.memory_space<semaphore_mem>>) src(%dma_wait3A_172 : memref<204800x128xf32, #tpu.memory_space<hbm>>) dst(%dma_wait3A_167 : memref<16x128xf32, #tpu.memory_space<vmem>>)
    %add3A_173 = arith.constant 48 : i32
    %add3A_174 = arith.addi %mul3A_2, %add3A_173 : i32
    %dma_start3A_175 = arith.constant 48 : i32
    %dma_start3A_176 = arith.constant 0 : i32
    %dma_start3A_177 = tpu.memref_slice %arg7[%dma_start3A_175, %dma_start3A_176] : memref<64x128xf32, #tpu.memory_space<vmem>> -> memref<16x128xf32, #tpu.memory_space<vmem>>
    %dma_start3A_178 = arith.constant 0 : i32
    %dma_start3A_179 = tpu.memref_slice %arg4[%add3A_174, %dma_start3A_178] : memref<1024x128xf32, #tpu.memory_space<hbm>> -> memref<16x128xf32, #tpu.memory_space<hbm>>
    %dma_start3A_180 = arith.constant 0 : i32
    %dma_start3A_181 = tpu.memref_slice %arg4[%add3A_174, %dma_start3A_180] : memref<1024x128xf32, #tpu.memory_space<hbm>> -> memref<16x128xf32, #tpu.memory_space<hbm>>
    %dma_start3A_182 = arith.constant 48 : i32
    %dma_start3A_183 = arith.constant 0 : i32
    %dma_start3A_184 = tpu.memref_slice %arg7[%dma_start3A_182, %dma_start3A_183] : memref<64x128xf32, #tpu.memory_space<vmem>> -> memref<16x128xf32, #tpu.memory_space<vmem>>
    tpu.enqueue_dma source(%dma_start3A_184 : memref<16x128xf32, #tpu.memory_space<vmem>>) target(%dma_start3A_181 : memref<16x128xf32, #tpu.memory_space<hbm>>) target_semaphore(%arg12 : memref<!tpu.dma_semaphore, #tpu.memory_space<semaphore_mem>>)
    %dma_wait3A_185 = arith.constant 0 : i32
    %dma_wait3A_186 = arith.constant 0 : i32
    %dma_wait3A_187 = tpu.memref_slice %arg7[%dma_wait3A_185, %dma_wait3A_186] : memref<64x128xf32, #tpu.memory_space<vmem>> -> memref<16x128xf32, #tpu.memory_space<vmem>>
    %dma_wait3A_188 = arith.constant 0 : i32
    %dma_wait3A_189 = tpu.memref_slice %arg4[%add3A_114, %dma_wait3A_188] : memref<1024x128xf32, #tpu.memory_space<hbm>> -> memref<16x128xf32, #tpu.memory_space<hbm>>
    %dma_wait3A_190 = arith.constant 0 : i32
    %dma_wait3A_191 = tpu.memref_slice %arg4[%add3A_114, %dma_wait3A_190] : memref<1024x128xf32, #tpu.memory_space<hbm>> -> memref<16x128xf32, #tpu.memory_space<hbm>>
    %dma_wait3A_192 = arith.constant 0 : i32
    %dma_wait3A_193 = arith.constant 0 : i32
    %dma_wait3A_194 = tpu.memref_slice %arg7[%dma_wait3A_192, %dma_wait3A_193] : memref<64x128xf32, #tpu.memory_space<vmem>> -> memref<16x128xf32, #tpu.memory_space<vmem>>
    tpu.wait_dma2 semaphore(%arg12 : memref<!tpu.dma_semaphore, #tpu.memory_space<semaphore_mem>>) src(%dma_wait3A_194 : memref<16x128xf32, #tpu.memory_space<vmem>>) dst(%dma_wait3A_191 : memref<16x128xf32, #tpu.memory_space<hbm>>)
    %dma_wait3A_195 = arith.constant 16 : i32
    %dma_wait3A_196 = arith.constant 0 : i32
    %dma_wait3A_197 = tpu.memref_slice %arg7[%dma_wait3A_195, %dma_wait3A_196] : memref<64x128xf32, #tpu.memory_space<vmem>> -> memref<16x128xf32, #tpu.memory_space<vmem>>
    %dma_wait3A_198 = arith.constant 0 : i32
    %dma_wait3A_199 = tpu.memref_slice %arg4[%add3A_134, %dma_wait3A_198] : memref<1024x128xf32, #tpu.memory_space<hbm>> -> memref<16x128xf32, #tpu.memory_space<hbm>>
    %dma_wait3A_200 = arith.constant 0 : i32
    %dma_wait3A_201 = tpu.memref_slice %arg4[%add3A_134, %dma_wait3A_200] : memref<1024x128xf32, #tpu.memory_space<hbm>> -> memref<16x128xf32, #tpu.memory_space<hbm>>
    %dma_wait3A_202 = arith.constant 16 : i32
    %dma_wait3A_203 = arith.constant 0 : i32
    %dma_wait3A_204 = tpu.memref_slice %arg7[%dma_wait3A_202, %dma_wait3A_203] : memref<64x128xf32, #tpu.memory_space<vmem>> -> memref<16x128xf32, #tpu.memory_space<vmem>>
    tpu.wait_dma2 semaphore(%arg12 : memref<!tpu.dma_semaphore, #tpu.memory_space<semaphore_mem>>) src(%dma_wait3A_204 : memref<16x128xf32, #tpu.memory_space<vmem>>) dst(%dma_wait3A_201 : memref<16x128xf32, #tpu.memory_space<hbm>>)
    %dma_wait3A_205 = arith.constant 32 : i32
    %dma_wait3A_206 = arith.constant 0 : i32
    %dma_wait3A_207 = tpu.memref_slice %arg7[%dma_wait3A_205, %dma_wait3A_206] : memref<64x128xf32, #tpu.memory_space<vmem>> -> memref<16x128xf32, #tpu.memory_space<vmem>>
    %dma_wait3A_208 = arith.constant 0 : i32
    %dma_wait3A_209 = tpu.memref_slice %arg4[%add3A_154, %dma_wait3A_208] : memref<1024x128xf32, #tpu.memory_space<hbm>> -> memref<16x128xf32, #tpu.memory_space<hbm>>
    %dma_wait3A_210 = arith.constant 0 : i32
    %dma_wait3A_211 = tpu.memref_slice %arg4[%add3A_154, %dma_wait3A_210] : memref<1024x128xf32, #tpu.memory_space<hbm>> -> memref<16x128xf32, #tpu.memory_space<hbm>>
    %dma_wait3A_212 = arith.constant 32 : i32
    %dma_wait3A_213 = arith.constant 0 : i32
    %dma_wait3A_214 = tpu.memref_slice %arg7[%dma_wait3A_212, %dma_wait3A_213] : memref<64x128xf32, #tpu.memory_space<vmem>> -> memref<16x128xf32, #tpu.memory_space<vmem>>
    tpu.wait_dma2 semaphore(%arg12 : memref<!tpu.dma_semaphore, #tpu.memory_space<semaphore_mem>>) src(%dma_wait3A_214 : memref<16x128xf32, #tpu.memory_space<vmem>>) dst(%dma_wait3A_211 : memref<16x128xf32, #tpu.memory_space<hbm>>)
    %dma_wait3A_215 = arith.constant 48 : i32
    %dma_wait3A_216 = arith.constant 0 : i32
    %dma_wait3A_217 = tpu.memref_slice %arg7[%dma_wait3A_215, %dma_wait3A_216] : memref<64x128xf32, #tpu.memory_space<vmem>> -> memref<16x128xf32, #tpu.memory_space<vmem>>
    %dma_wait3A_218 = arith.constant 0 : i32
    %dma_wait3A_219 = tpu.memref_slice %arg4[%add3A_174, %dma_wait3A_218] : memref<1024x128xf32, #tpu.memory_space<hbm>> -> memref<16x128xf32, #tpu.memory_space<hbm>>
    %dma_wait3A_220 = arith.constant 0 : i32
    %dma_wait3A_221 = tpu.memref_slice %arg4[%add3A_174, %dma_wait3A_220] : memref<1024x128xf32, #tpu.memory_space<hbm>> -> memref<16x128xf32, #tpu.memory_space<hbm>>
    %dma_wait3A_222 = arith.constant 48 : i32
    %dma_wait3A_223 = arith.constant 0 : i32
    %dma_wait3A_224 = tpu.memref_slice %arg7[%dma_wait3A_222, %dma_wait3A_223] : memref<64x128xf32, #tpu.memory_space<vmem>> -> memref<16x128xf32, #tpu.memory_space<vmem>>
    tpu.wait_dma2 semaphore(%arg12 : memref<!tpu.dma_semaphore, #tpu.memory_space<semaphore_mem>>) src(%dma_wait3A_224 : memref<16x128xf32, #tpu.memory_space<vmem>>) dst(%dma_wait3A_221 : memref<16x128xf32, #tpu.memory_space<hbm>>)
    return
  }
}

</mosaic_0001>

<sc_bundles>
// kernel: kernel.3.cloned.1.call-start
scs
__scs_entry_jumppad:
0x0: {  	(pc) =	sbr.rel $0x88, $3  }
0x1: {  	(tag) =	ssettag $0x0;
	lr =	simm.s32 $0x1  }
0x2: {  	[smem:$0x3F9F] =	sst lr;
	_ =	strace $0xD0000000  }
0x3: {  	_ = 	snop  }
0x4: {  	_ = 	snop  }
0x5: {  	_ = 	snop  }
0x6: {  	_ = 	snop  }
0x7: {  	_ = 	snop  }
__scs_overlays_trampoline_lowered:
0x8: {  	[smem:$0x3FAE] =	sst s0  }
0x9: {  	[smem:$0x3FAF] =	sst s1  }
0xa: {  	[smem:$0x3FB0] =	sst s2  }
0xb: {  	[smem:$0x3FB1] =	sst s3  }
0xc: {  	[smem:$0x3FB2] =	sst s4  }
0xd: {  	[smem:$0x3FB3] =	sst s5  }
0xe: {  	[smem:$0x3FB4] =	sst s6  }
0xf: {  	[smem:$0x3FB5] =	sst s7  }
0x10: {  	[smem:$0x3FB6] =	sst s8  }
0x11: {  	[smem:$0x3FB7] =	sst s9;
	s0 =	simm.s32 @!p0 $0x0  }
0x12: {  	s1 =	sld [smem:$0x3F9D];
	s0 =	simm.s32 @p0 $0x1  }
0x13: {  	[smem:$0x3FB8] =	sst s0;
	s0 =	simm.s32 @!p1 $0x0  }
0x14: {  	s2 =	sld [smem:$0x3F9C];
	s0 =	simm.s32 @p1 $0x1  }
0x15: {  	[smem:$0x3FB9] =	sst s0;
	s0 =	simm.s32 @!p2 $0x0  }
0x16: {  	s3 =	sld [smem:$0x3FDB];
	s0 =	simm.s32 @p2 $0x1  }
0x17: {  	s4 =	simm.s32 $0x1BF5;
	[smem:$0x3FBB] =	sst s0  }
0x18: {  	s0 =	sld [smem:$0x3F9E];
	_ =	swait.ge [sflag:s4], $0x0  }
0x19: {  	s7 =	sld [smem:$0x3F9F]  }
0x1a: {  	s8 =	sadd.s32 $0xFFFFE003, lr  }
0x1b: {  	s9 =	sadd.s32 $0xFFFFFEF7, lr;
	s5 =	simm.s32 $0xFFFFFFFF;
	p2 =	slt.u32 s8, $0xFFFFF086  }
0x1c: {  	p1 =	slt.u32 s9, $0xF7A;
	s5 =	simm.s32 @!p2 $0x0  }
0x1d: {  	s5 =	simm.s32 @p1 $0x1;
	p0 =	seq.s32 s7, s2  }
0x1e: {  	s7 =	smul.u32 @!p0 $0xF7A, s2;
	p2 =	seq.s32 @!p0 s5, $0x0  }
0x1f: {  	s9 =	smul.u32 $0xF7A, s1;
	s8 =	simm.s32 @!p0 $0x1BF5;
	p2 =	por !p2, p0  }
0x20: {  	[sflag:s8] =	ssyncset.s32 @!p0 $0xFFFFF086;
	s6 =	sadd.s32 @!p0 s3, s7;
	s7 =	simm.s32 @!p0 $0x108  }
0x21: {  	s3 =	sadd.s32 s3, s9;
	s6 =	sadd.s32 @!p0 $0x88, s6;
	s7 =	simm.s32 @p2 $0x1082  }
0x22: {  	[simem:s7], [sflag:s8] =	dma.local @!p0 [hbm:s6], $0xF7A  }
0x23: {  	s9 =	sor.u32 $0xD0000000, s2;
	s6 =	simm.s32 $0x108;
	_ =	swait.ge @!p0 [sflag:s8], $0x0  }
0x24: {  	s3 =	sadd.s32 $0x88, s3;
	s6 =	simm.s32 @!p1 $0x1082;
	[sflag:s4] =	ssyncset.s32 $0xFFFFF086  }
0x25: {  	[simem:s6], [sflag:s4] =	dma.local [hbm:s3], $0xF7A  }
0x26: {  	[smem:$0x3F9F] =	sst s1;
	(tag) =	ssettag s2;
	_ =	strace s9  }
0x27: {  	s1 =	sld [smem:$0x3FAF]  }
0x28: {  	s2 =	sld [smem:$0x3FB0]  }
0x29: {  	s4 =	sld [smem:$0x3FB2]  }
0x2a: {  	p0 =	seq.s32 s5, $0x0;
	s5 =	sld [smem:$0x3FB3]  }
0x2b: {  	s6 =	sld [smem:$0x3FB4]  }
0x2c: {  	s7 =	sld [smem:$0x3FB5]  }
0x2d: {  	s3 =	simm.s32 $0x108;
	s8 =	sld [smem:$0x3FB6]  }
0x2e: {  	s3 =	simm.s32 @!p0 $0x1082;
	s9 =	sld [smem:$0x3FB7]  }
0x2f: {  	lr =	sadd.s32 s0, s3;
	s0 =	sld [smem:$0x3FAE]  }
0x30: {  	s3 =	sld [smem:$0x3FB1]  }
0x31: {  	[smem:$0x3FBA] =	sst s10  }
0x32: {  	s10 =	sld [smem:$0x3FB8];
	_ =	sdelay $0x3  }
0x33: {  	p0 =	seq.s32 s10, $0x1;
	s10 =	sld [smem:$0x3FBA];
	_ =	sdelay $0x3  }
0x34: {  	[smem:$0x3FBA] =	sst s10  }
0x35: {  	s10 =	sld [smem:$0x3FB9];
	_ =	sdelay $0x3  }
0x36: {  	p1 =	seq.s32 s10, $0x1;
	s10 =	sld [smem:$0x3FBA];
	_ =	sdelay $0x3  }
0x37: {  	[smem:$0x3FBA] =	sst s10  }
0x38: {  	s10 =	sld [smem:$0x3FBB]  }
0x39: {  	_ = 	snop;
	(pc) =	sbr.ind lr, $3  }
0x3a: {  	_ = 	snop  }
0x3b: {  	_ = 	snop  }
0x3c: {  	p2 =	seq.s32 s10, $0x1;
	s10 =	sld [smem:$0x3FBA]  }
0x3d: {  	_ =	shalt  }
0x3e: {  	_ =	shalt  }
0x3f: {  	_ =	shalt  }
0x40: {  	_ =	shalt  }
0x41: {  	_ =	shalt  }
0x42: {  	_ =	shalt  }
0x43: {  	_ =	shalt  }
0x44: {  	_ =	shalt  }
0x45: {  	_ =	shalt  }
0x46: {  	_ =	shalt  }
0x47: {  	_ =	shalt  }
0x48: {  	_ =	shalt  }
0x49: {  	_ =	shalt  }
0x4a: {  	_ =	shalt  }
0x4b: {  	_ =	shalt  }
0x4c: {  	_ =	shalt  }
0x4d: {  	_ =	shalt  }
0x4e: {  	_ =	shalt  }
0x4f: {  	_ =	shalt  }
0x50: {  	_ =	shalt  }
0x51: {  	_ =	shalt  }
0x52: {  	_ =	shalt  }
0x53: {  	_ =	shalt  }
0x54: {  	_ =	shalt  }
0x55: {  	_ =	shalt  }
0x56: {  	_ =	shalt  }
0x57: {  	_ =	shalt  }
0x58: {  	_ =	shalt  }
0x59: {  	_ =	shalt  }
0x5a: {  	_ =	shalt  }
0x5b: {  	_ =	shalt  }
0x5c: {  	_ =	shalt  }
0x5d: {  	_ =	shalt  }
0x5e: {  	_ =	shalt  }
0x5f: {  	_ =	shalt  }
0x60: {  	_ =	shalt  }
0x61: {  	_ =	shalt  }
0x62: {  	_ =	shalt  }
0x63: {  	_ =	shalt  }
0x64: {  	_ =	shalt  }
0x65: {  	_ =	shalt  }
0x66: {  	_ =	shalt  }
0x67: {  	_ =	shalt  }
0x68: {  	_ =	shalt  }
0x69: {  	_ =	shalt  }
0x6a: {  	_ =	shalt  }
0x6b: {  	_ =	shalt  }
0x6c: {  	_ =	shalt  }
0x6d: {  	_ =	shalt  }
0x6e: {  	_ =	shalt  }
0x6f: {  	_ =	shalt  }
0x70: {  	_ =	shalt  }
0x71: {  	_ =	shalt  }
0x72: {  	_ =	shalt  }
0x73: {  	_ =	shalt  }
0x74: {  	_ =	shalt  }
0x75: {  	_ =	shalt  }
0x76: {  	_ =	shalt  }
0x77: {  	_ =	shalt  }
0x78: {  	_ =	shalt  }
0x79: {  	_ =	shalt  }
0x7a: {  	_ =	shalt  }
0x7b: {  	_ =	shalt  }
0x7c: {  	_ =	shalt  }
0x7d: {  	_ =	shalt  }
0x7e: {  	_ =	shalt  }
0x7f: {  	_ =	shalt  }
0x80: {  	_ =	shalt  }
0x81: {  	_ =	shalt  }
0x82: {  	_ =	shalt  }
0x83: {  	_ =	shalt  }
0x84: {  	_ =	shalt  }
0x85: {  	_ =	shalt  }
0x86: {  	_ =	shalt  }
0x87: {  	_ =	shalt  }
.Lfunc_end0:
.L_simem_size_0:
called_computation_lowered:
.L_overlay_start_0:
0x88: {  	s0 =	sld [smem:$0x3FD9]  }
0x89: {  	s1 =	sld [smem:$0x3FFE];
	_ =	sdelay $0x3  }
0x8a: {  	s0 =	sadd.s32 s1, s0  }
0x8b: {  	[smem:$0x3FC6] =	sst s0  }
0x8c: {  	_ = 	snop  }
0x8d: {  	s0 =	sld [smem:$0x3FC9]  }
0x8e: {  	s17 =	sld [smem:$0x3FC8]  }
0x8f: {  	s2 =	sld [smem:$0x3FD0];
	(tm) =	ssettm $0x1  }
0x90: {  	s3 =	sld [smem:$0x3FFB];
	_ =	sdelay $0x3  }
0x91: {  	_ =	strace s3  }
0x92: {  	s3 =	sld [smem:$0x3FFC];
	_ =	sdelay $0x3  }
0x93: {  	_ =	strace s3  }
0x94: {  	s3 =	sld [smem:$0x3FFD];
	_ =	sdelay $0x3  }
0x95: {  	_ =	strace s3  }
0x96: {  	_ =	strace $0x8FFFFFFF  }
0x97: {  	s18 =	sld [smem:$0x3FDB];
	_ =	sdelay $0x1  }
0x98: {  	s4 =	simm.s32 $_scs_section_size  }
0x99: {  	s5 =	simm.s32 $_size__tile_overlayer_lowered;
	s6 =	simm.s32 $_tile_overlayer_lowered  }
0x9a: {  	s21 =	simm.s32 $0x1BFF;
	s20 =	sshll.u32 s6, $0x1;
	s3 =	sadd.s32 s4, s18  }
0x9b: {  	s7 =	simm.s32 $0x0;
	s19 =	sshll.u32 s5, $0x1;
	s5 =	sadd.s32 s20, s3  }
0x9c: {  	[timem:s7], [sflag:s21] =	dma.local [hbm:s5], s19  }
0x9d: {  	_ =	swait.ge [sflag:s21], s19  }
0x9e: {  	s4 =	ssub.s32 $0x0, s19;
	[sflag:s21] =	ssyncset.done $0x0  }
0x9f: {  	[sflag:s21] =	ssyncadd.s32 s4;
	_ =	sdelay $0x1  }
0xa0: {  	s22 =	simm.s32 $0x1B8B  }
0xa1: {  	_ =	swait.ge [sflag:s22], $0x1  }
0xa2: {  	[sflag:s22] =	ssyncset.done $0x0  }
0xa3: {  	s23 =	simm.s32 $0x1B8E;
	[sflag:s22] =	ssyncadd.s32 $0xFFFFFFFF  }
0xa4: {  	s24 =	simm.s32 $execute0_lowered;
	[smem:$0x3FD2] =	sst s23  }
0xa5: {  	s4 =	sshll.u32 s24, $0x1;
	_ =	strace $0x80000046;
	[dreg:$0x1] =	wrdreg $0xFFFFFFFF  }
0xa6: {  	s25 =	simm.s32 $_size_execute0_lowered;
	s3 =	sadd.s32 s3, s4;
	[dreg:$0x0] =	wrdreg $0x0  }
0xa7: {  	s4 =	sshll.u32 s25, $0x1;
	[dreg:$0x2] =	wrdreg s3  }
0xa8: {  	[dreg:$0x3] =	wrdreg s4  }
0xa9: {  	[dreg:$0x4] =	wrdreg $0xC0  }
0xaa: {  	_ =	task [dreg:s7], $0x5FFFF  }
0xab: {  	[dreg:$0x1] =	wrdreg $0xFFFFFFFF  }
0xac: {  	[dreg:$0x0] =	wrdreg $0x60  }
0xad: {  	[dreg:$0x2] =	wrdreg s0  }
0xae: {  	[dreg:$0x3] =	wrdreg s17  }
0xaf: {  	[dreg:$0x4] =	wrdreg s2  }
0xb0: {  	[dreg:$0x5] =	wrdreg $0x9  }
0xb1: {  	_ =	task.clear_ibuf [dreg:s7], $0x6FFFF;
	_ =	strace $0x90000046  }
0xb2: {  	s26 =	simm.s32 $0x9;
	_ =	strace $0x80000048  }
0xb3: {  	_ =	swait.ge [sflag:s26], $0x1  }
0xb4: {  	[sflag:s26] =	ssyncadd.s32 $0xFFFFFFFF  }
0xb5: {  	_ =	strace $0x90000048  }
0xb6: {  	_ =	sfence  }
0xb7: {  	s28 =	sld [smem:$0x0];
	_ =	sdelay $0x1  }
0xb8: {  	s29 =	srdreg.scid  }
0xb9: {  	s30 =	sshll.u32 s29, $0xD;
	s31 =	sshrl.u32 s29, $0x2  }
0xba: {  	s1 =	sand.u32 $0x1, s29;
	s2 =	sand.u32 $0x4000, s30;
	s0 =	sadd.s32 s31, s28  }
0xbb: {  	s1 =	sor.u32 s2, s1;
	s0 =	sshll.u32 s0, $0x11  }
0xbc: {  	s0 =	sor.u32 s0, s1  }
0xbd: {  	s0 =	sadd.s32 $0x8F2B, s0  }
0xbe: {  	[sflag:s0] =	ssyncadd.remote.s32 $0x1  }
0xbf: {  	_ =	sfence.sel $0xFFFF  }
0xc0: {  	[dreg:$0x0] =	wrdreg $0xFFFFFFFF;
	(pc) =	sbr.abs _section_cstart, $3  }
0xc1: {  	[dreg:$0x1] =	wrdreg $0xFFFFFFFF  }
0xc2: {  	_ =	task.clear_ibuf [dreg:s7], $0x2FFFF;
	_ =	strace $0x9FFFFFFF  }
0xc3: {  	(tm) =	ssettm $0x7FFFFFFF  }
tec
execute0_lowered:
.L_overlay_start_1:
0x0: {  	(tag) =	ssettag $0x1  }
0x1: {  	s4 =	rddreg [dreg:$0x0]  }
0x2: {  	s5 =	rddreg [dreg:$0x1]  }
0x3: {  	s2 =	rddreg [dreg:$0x2]  }
0x4: {  	s0 =	rddreg [dreg:$0x3];
	s3 =	simm.s32 $0x0;
	s1 =	stileid.u32  }
0x5: {  	[smem:$0x7FF] =	sst s3;
	s6 =	sshll.u32 s1, $0x3  }
0x6: {  	s17 =	simm.s32 $0x6;
	_ =	strace $0x80000047;
	s5 =	sadd.s32 s5, s6  }
0x7: {  	[tilespmem:s3], [sflag:$0x6] =	stream.linear.gather [hbm4b:s5+s3], $0x40, $0x38;
	[tilespmem:$0x2100] =	vst v63  }
0x8: {  	_ =	swait.ge [sflag:s17], $0x40  }
0x9: {  	[sflag:s17] =	ssyncset.done $0x0  }
0xa: {  	s18 =	sshll.u32 s1, $0x6;
	[sflag:s17] =	ssyncadd.s32 $0xFFFFFFC0  }
0xb: {  	v0 =	vmov s18;
	s19 =	sor.u32 $0x10, s18;
	v1 =	vld [tilespmem:$0x0]  }
0xc: {  	v4 =	vlaneseq.u32;
	s6 =	sor.u32 $0x30, s18;
	v0 =	vmul.u32 $0xC8, v0;
	v2 =	vmov s19;
	v3 =	vld [tilespmem:$0x10]  }
0xd: {  	v4 =	vmul.u32 $0xC8, v4;
	s7 =	sor.u32 $0x20, s18;
	v7 =	vmov s6;
	v2 =	vmul.u32 $0xC8, v2;
	v8 =	vld [tilespmem:$0x30]  }
0xe: {  	v5 =	vmov s7;
	v7 =	vmul.u32 $0xC8, v7;
	v0 =	vbroadcast v0, $0x0;
	v6 =	vld [tilespmem:$0x20]  }
0xf: {  	v5 =	vmul.u32 $0xC8, v5;
	v2 =	vbroadcast v2, $0x0  }
0x10: {  	v58 =	vadd.s32 $0xFFFFFFFF, v4;
	v60 =	vbroadcast v7, $0x0;
	v0 =	vadd.s32 v1, v0  }
0x11: {  	v59 =	vbroadcast v5, $0x0;
	v2 =	vadd.s32 v3, v2;
	v0 =	vadd.s32 v58, v0  }
0x12: {  	v62 =	vadd.s32 v8, v60;
	v2 =	vadd.s32 v58, v2;
	[tilespmem:$0x80] =	vst v0  }
0x13: {  	v61 =	vadd.s32 v6, v59;
	v63 =	vadd.s32 v58, v62;
	[tilespmem:$0x90] =	vst v2  }
0x14: {  	v0 =	vadd.s32 v58, v61;
	[tilespmem:$0xB0] =	vst v63  }
0x15: {  	s8 =	simm.s32 $0x10;
	s9 =	simm.s32 $0x80;
	s10 =	simm.s32 $0x100;
	[tilespmem:$0xA0] =	vst v0  }
0x16: {  	[tilespmem:s10], [sflag:$0x1] =	stream.indirect.gather [hbm4b:s4+s8], $0x80, s9, s8, $0xb8;
	[tilespmem:$0x2100] =	vst v63  }
0x17: {  	s20 =	simm.s32 $0x90;
	s11 =	simm.s32 $0x900  }
0x18: {  	[tilespmem:s11], [sflag:$0x2] =	stream.indirect.gather [hbm4b:s4+s8], $0x80, s20, s8, $0xb8;
	[tilespmem:$0x2100] =	vst v63  }
0x19: {  	s21 =	simm.s32 $0xA0;
	s12 =	simm.s32 $0x1100  }
0x1a: {  	[tilespmem:s12], [sflag:$0x3] =	stream.indirect.gather [hbm4b:s4+s8], $0x80, s21, s8, $0xb8;
	[tilespmem:$0x2100] =	vst v63  }
0x1b: {  	s22 =	simm.s32 $0xB0;
	s13 =	simm.s32 $0x1900;
	s23 =	simm.s32 $0x1  }
0x1c: {  	[tilespmem:s13], [sflag:$0x4] =	stream.indirect.gather [hbm4b:s4+s8], $0x80, s22, s8, $0xb8;
	[tilespmem:$0x2100] =	vst v63  }
0x1d: {  	_ =	swait.ge [sflag:s23], $0x800  }
0x1e: {  	s24 =	sshll.u32 s1, $0xA;
	[sflag:s23] =	ssyncset.done $0x0  }
0x1f: {  	s25 =	simm.s32 $0x2;
	s8 =	sadd.s32 s2, s24;
	[sflag:s23] =	ssyncadd.s32 $0xFFFFF800  }
0x20: {  	[hbm4b:s8+s3] =	stream.linear.scatter [tilespmem:s10], [sflag:$0x5], $0x800, $0x38;
	[tilespmem:$0x2100] =	vst v63  }
0x21: {  	_ =	swait.ge [sflag:s25], $0x800  }
0x22: {  	s5 =	sshll.u32 s19, $0x4;
	[sflag:s25] =	ssyncset.done $0x0  }
0x23: {  	s26 =	simm.s32 $0x3;
	s5 =	sadd.s32 s2, s5;
	[sflag:s25] =	ssyncadd.s32 $0xFFFFF800  }
0x24: {  	[hbm4b:s5+s3] =	stream.linear.scatter [tilespmem:s11], [sflag:$0x5], $0x800, $0x38;
	[tilespmem:$0x2100] =	vst v63  }
0x25: {  	_ =	swait.ge [sflag:s26], $0x800  }
0x26: {  	s28 =	sshll.u32 s7, $0x4;
	[sflag:s26] =	ssyncset.done $0x0  }
0x27: {  	s29 =	simm.s32 $0x4;
	s5 =	sadd.s32 s2, s28;
	[sflag:s26] =	ssyncadd.s32 $0xFFFFF800  }
0x28: {  	[hbm4b:s5+s3] =	stream.linear.scatter [tilespmem:s12], [sflag:$0x5], $0x800, $0x38;
	[tilespmem:$0x2100] =	vst v63  }
0x29: {  	_ =	swait.ge [sflag:s29], $0x800  }
0x2a: {  	s30 =	sshll.u32 s6, $0x4;
	[sflag:s29] =	ssyncset.done $0x0  }
0x2b: {  	s31 =	simm.s32 $0x5;
	s2 =	sadd.s32 s2, s30;
	[sflag:s29] =	ssyncadd.s32 $0xFFFFF800  }
0x2c: {  	[hbm4b:s2+s3] =	stream.linear.scatter [tilespmem:s13], [sflag:$0x5], $0x800, $0x38;
	[tilespmem:$0x2100] =	vst v63  }
0x2d: {  	_ =	swait.ge [sflag:s31], $0x800  }
0x2e: {  	[sflag:s31] =	ssyncset.done $0x0  }
0x2f: {  	[sflag:s31] =	ssyncadd.s32 $0xFFFFF800  }
0x30: {  	_ =	swait.ge [sflag:s31], $0x800  }
0x31: {  	[sflag:s31] =	ssyncset.done $0x0  }
0x32: {  	[sflag:s31] =	ssyncadd.s32 $0xFFFFF800  }
0x33: {  	_ =	swait.ge [sflag:s31], $0x800  }
0x34: {  	[sflag:s31] =	ssyncset.done $0x0  }
0x35: {  	[sflag:s31] =	ssyncadd.s32 $0xFFFFF800  }
0x36: {  	_ =	swait.ge [sflag:s31], $0x800  }
0x37: {  	[sflag:s31] =	ssyncset.done $0x0  }
0x38: {  	[sflag:s31] =	ssyncadd.s32 $0xFFFFF800  }
0x39: {  	_ =	sfence.sel $0x180000  }
0x3a: {  	[bflag:$0x0] =	sbarrier.arrive $0xFFFF  }
0x3b: {  	p0 =	sne.s32 s1, $0x0;
	_ =	strace $0x90000047  }
0x3c: {  	s0 =	sadd.s32 @!p0 $0x100000, s0;
	[bflag:$0x2] =	sbarrier.arrive $0xFFFF  }
0x3d: {  	[sflag:s0] =	ssyncadd.tile.s32 @!p0 $0x1;
	_ =	shalt  }
.Lfunc_end2:
_tile_overlayer_lowered:
.L_overlay_start_2:
0x3e: {  	(tag) =	ssettag $0x2  }
0x3f: {  	s0 =	rddreg [dreg:$0x0];
	s2 =	stileid.u32  }
0x40: {  	s1 =	rddreg [dreg:$0x1];
	p0 =	sne.s32 s2, $0x0  }
0x41: {  	s3 =	rddreg [dreg:$0x2];
	[bflag:$0x3] =	sbarrier.arrive $0xFFFF;
	s2 =	simm.s32 @!p0 $0x1C06  }
0x42: {  	[timem:s3], [sflag:s2] =	dma.local @!p0 [hbm:s0], s1  }
0x43: {  	s0 =	simm.s32 @!p0 $0x6  }
0x44: {  	_ =	swait.ge @!p0 [sflag:s0], s1  }
0x45: {  	s1 =	ssub.s32 @!p0 $0x0, s1;
	[sflag:s0] =	ssyncset.done @!p0 $0x0  }
0x46: {  	[sflag:s0] =	ssyncadd.s32 @!p0 s1  }
0x47: {  	[bflag:$0x3] =	sbarrier.arrive $0xFFFF  }
0x48: {  	_ =	shalt  }

</sc_bundles>
